<compile_context>
chip_gen: v7x
topology: tpu7x:2x2x1
jax: 0.10.2.dev20260603
libtpu: 0.0.44.dev20260713+nightly
codegen_flags: <defaults>
</compile_context>

<pallas_src>
import jax
import jax.numpy as jnp
from jax import lax
from jax.experimental import pallas as pl
from jax.experimental.pallas import tpu as pltpu
from jax.experimental.pallas import tpu_sc as plsc

F = 8
V = 1000
B = 16384
D = 32
PAIRS = [(i, j) for i in range(F) for j in range(i + 1, F)]
P = len(PAIRS)

NC, NS = 2, 16
NW = NC * NS
BW = B // NW

_f32 = jnp.float32
_i32 = jnp.int32


def _sc_deep_body(feats_hbm, embs_hbm, deep_hbm,
                  feats_v, eidx, ebuf0, ebuf1, sem_d0, sem_d1):
    wid = lax.axis_index("s") * NC + lax.axis_index("c")

    pltpu.sync_copy(feats_hbm.at[:, pl.ds(wid * BW, BW)], feats_v)

    def idx_body(c, _):
        co = c * 16
        for f in range(F):
            eidx[pl.ds(f * BW + co, 16)] = feats_v[f, pl.ds(co, 16)] + f * V
        return 0
    lax.fori_loop(0, BW // 16, idx_body, 0)

    bufs = (ebuf0, ebuf1)
    sems = (sem_d0, sem_d1)
    ops = [None, None]
    ops[0] = pltpu.async_copy(
        embs_hbm.at[eidx.at[pl.ds(0, BW)]], bufs[0], sems[0])
    for f in range(F):
        cur = f % 2
        if f + 1 < F:
            nxt = (f + 1) % 2
            ops[nxt] = pltpu.async_copy(
                embs_hbm.at[eidx.at[pl.ds((f + 1) * BW, BW)]],
                bufs[nxt], sems[nxt])
        ops[cur].wait()
        pltpu.sync_copy(bufs[cur],
                        deep_hbm.at[pl.ds(wid * BW, BW), pl.ds(f * D, D)])


def _sc_wide_body(feats_hbm, crosses_hbm, lins_hbm,
                  wide_hbm,
                  feats_v, cidx, lidx, cvals, lvals, wide_v, sem_a):
    wid = lax.axis_index("s") * NC + lax.axis_index("c")

    pltpu.sync_copy(feats_hbm.at[:, pl.ds(wid * BW, BW)], feats_v)

    def idx_body(c, _):
        co = c * 16
        fv = [feats_v[f, pl.ds(co, 16)] for f in range(F)]
        for f in range(F):
            lv = fv[f]
            lidx[pl.ds(f * BW + co, 16)] = (
                (lv >> 7) * 1024 + f * 128 + (lv & 127))
        for p, (a, b) in enumerate(PAIRS):
            j = fv[a] * V + fv[b]
            base = (p // 8) * (7813 * 1024) + (p % 8) * 128
            cidx[pl.ds(p * BW + co, 16)] = (
                (j >> 7) * 1024 + (j & 127) + base)
        return 0
    lax.fori_loop(0, BW // 16, idx_body, 0)

    cop = pltpu.async_copy(crosses_hbm.at[cidx], cvals, sem_a)
    lop = pltpu.async_copy(lins_hbm.at[lidx], lvals, sem_a)
    cop.wait()
    lop.wait()

    def red_body(c, _):
        co = c * 16
        acc = cvals[pl.ds(co, 16)]
        for p in range(1, P):
            acc = acc + cvals[pl.ds(p * BW + co, 16)]
        for f in range(F):
            acc = acc + lvals[pl.ds(f * BW + co, 16)]
        wide_v[pl.ds(co, 16)] = acc
        return 0
    lax.fori_loop(0, BW // 16, red_body, 0)

    pltpu.sync_copy(wide_v, wide_hbm.at[pl.ds(wid * BW, BW)])


def _sc_mesh():
    return plsc.VectorSubcoreMesh(core_axis_name="c", subcore_axis_name="s",
                                  num_cores=NC, num_subcores=NS)


@jax.jit
def _sc_deep(feats, embs):
    return pl.kernel(
        _sc_deep_body,
        out_type=jax.ShapeDtypeStruct((B, F * D), _f32),
        mesh=_sc_mesh(),
        compiler_params=pltpu.CompilerParams(use_tc_tiling_on_sc=False),
        scratch_types=[
            pltpu.VMEM((F, BW), _i32),
            pltpu.VMEM((F * BW,), _i32),
            pltpu.VMEM((BW, D), _f32),
            pltpu.VMEM((BW, D), _f32),
            pltpu.SemaphoreType.DMA,
            pltpu.SemaphoreType.DMA,
        ],
    )(feats, embs)


@jax.jit
def _sc_wide(feats, crosses, lins):
    return pl.kernel(
        _sc_wide_body,
        out_type=jax.ShapeDtypeStruct((B,), _f32),
        mesh=_sc_mesh(),
        compiler_params=pltpu.CompilerParams(use_tc_tiling_on_sc=False),
        scratch_types=[
            pltpu.VMEM((F, BW), _i32),
            pltpu.VMEM((P * BW,), _i32),
            pltpu.VMEM((F * BW,), _i32),
            pltpu.VMEM((P * BW,), _f32),
            pltpu.VMEM((F * BW,), _f32),
            pltpu.VMEM((BW,), _f32),
            pltpu.SemaphoreType.DMA,
        ],
    )(feats, crosses, lins)


def _mlp_body(deep_ref, w1_ref, b1_ref, w2_ref, b2_ref,
              w3_ref, b3_ref, out_ref):
    x = deep_ref[...]
    h = jnp.maximum(jnp.dot(x, w1_ref[...],
                            preferred_element_type=_f32) + b1_ref[...], 0.0)
    h = jnp.maximum(jnp.dot(h, w2_ref[...],
                            preferred_element_type=_f32) + b2_ref[...], 0.0)
    out_ref[...] = (jnp.dot(h, w3_ref[...], preferred_element_type=_f32)
                    + b3_ref[...])


def _mlp(deep2, W1, b1, W2, b2, W3, b3):
    bm = 2048
    grid = (B // bm,)
    return pl.pallas_call(
        _mlp_body,
        grid=grid,
        in_specs=[
            pl.BlockSpec((bm, F * D), lambda i: (i, 0)),
            pl.BlockSpec((F * D, 256), lambda i: (0, 0)),
            pl.BlockSpec((1, 256), lambda i: (0, 0)),
            pl.BlockSpec((256, 128), lambda i: (0, 0)),
            pl.BlockSpec((1, 128), lambda i: (0, 0)),
            pl.BlockSpec((128, 1), lambda i: (0, 0)),
            pl.BlockSpec((1, 1), lambda i: (0, 0)),
        ],
        out_specs=pl.BlockSpec((bm, 1), lambda i: (i, 0)),
        out_shape=jax.ShapeDtypeStruct((B, 1), _f32),
    )(deep2, W1, b1, W2, b2, W3, b3)


def _final_body(logit_ref, wide_ref, out_ref):
    out_ref[...] = jax.nn.sigmoid(logit_ref[...] + wide_ref[...])


def _final(logit, wide2):
    bm = 8192
    return pl.pallas_call(
        _final_body,
        grid=(B // bm,),
        in_specs=[
            pl.BlockSpec((bm, 1), lambda i: (i, 0)),
            pl.BlockSpec((bm, 1), lambda i: (i, 0)),
        ],
        out_specs=pl.BlockSpec((bm, 1), lambda i: (i, 0)),
        out_shape=jax.ShapeDtypeStruct((B, 1), _f32),
    )(logit, wide2)


def kernel(feats, embs, lins, crosses, W1, b1, W2, b2, W3, b3):
    xp = jnp.pad(crosses.reshape(P, V * V), ((0, 4), (0, 64)))
    crosses_in = jnp.transpose(
        xp.reshape(4, 8, 7813, 128), (0, 2, 1, 3)).reshape(-1)
    lp = jnp.pad(lins.reshape(F, V), ((0, 0), (0, 24)))
    lins_in = jnp.transpose(
        lp.reshape(8, 8, 128), (1, 0, 2)).reshape(-1)
    deep = _sc_deep(feats, embs.reshape(F * V, D))
    wide = _sc_wide(feats, crosses_in, lins_in)
    logit = _mlp(deep, W1, b1.reshape(1, 256), W2, b2.reshape(1, 128),
                 W3, b3.reshape(1, 1))
    return _final(logit, wide.reshape(B, 1))

# --- scband reference (transcript-rebuilt; emitter-appended) ---
"""Pipeline reference for scband-wide-deep-56006373540340 (READ-ONLY COPY).

The authoritative reference and input builder live on the scoring server;
editing this copy changes nothing except your own understanding.
"""

import jax, jax.numpy as jnp
import numpy as np

F = 8
V = 1000
B = 16384
D = 32
PAIRS = [(i, j) for i in range(F) for j in range(i + 1, F)]


def setup_inputs(seed: int = 0) -> dict:
    key = jax.random.key(seed)
    ks = jax.random.split(key, 10)
    feats = jax.random.randint(ks[0], (F, B), 0, V, dtype=jnp.int32)
    embs = jax.random.normal(ks[1], (F, V, D), dtype=jnp.float32) * 0.02
    lins = jax.random.normal(ks[2], (F, V, 1), dtype=jnp.float32) * 0.02
    crosses = jax.random.normal(ks[3], (len(PAIRS), V * V, 1), dtype=jnp.float32) * 0.02
    W1 = jax.random.normal(ks[4], (F * D, 256), dtype=jnp.float32) * (1.0 / np.sqrt(F * D))
    b1 = jnp.zeros((256,), dtype=jnp.float32)
    W2 = jax.random.normal(ks[5], (256, 128), dtype=jnp.float32) * (1.0 / np.sqrt(256))
    b2 = jnp.zeros((128,), dtype=jnp.float32)
    W3 = jax.random.normal(ks[6], (128, 1), dtype=jnp.float32) * (1.0 / np.sqrt(128))
    b3 = jnp.zeros((1,), dtype=jnp.float32)
    return {"feats": feats, "embs": embs, "lins": lins, "crosses": crosses,
            "W1": W1, "b1": b1, "W2": W2, "b2": b2, "W3": W3, "b3": b3}


def reference(feats, embs, lins, crosses, W1, b1, W2, b2, W3, b3):
    # wide linear part: per-field 1-dim embedding lookups summed over fields
    lin_vals = jax.vmap(lambda t, idx: jnp.take(t, idx, axis=0))(lins, feats)  # [F, B, 1]
    linear_logit = jnp.sum(lin_vals, axis=0)  # [B, 1]
    # cross part: pairwise combined-index lookups into vocab^2 tables
    combined = jnp.stack([feats[i] * V + feats[j] for (i, j) in PAIRS], axis=0)  # [P, B]
    cross_vals = jax.vmap(lambda t, idx: jnp.take(t, idx, axis=0))(crosses, combined)  # [P, B, 1]
    cross_logit = jnp.sum(cross_vals, axis=0)  # [B, 1]
    # deep part
    emb_vals = jax.vmap(lambda t, idx: jnp.take(t, idx, axis=0))(embs, feats)  # [F, B, D]
    deep_in = jnp.transpose(emb_vals, (1, 0, 2)).reshape(feats.shape[1], F * D)  # [B, F*D]
    h = jax.nn.relu(deep_in @ W1 + b1)
    h = jax.nn.relu(h @ W2 + b2)
    deep_logit = h @ W3 + b3  # [B, 1]
    logits = linear_logit + cross_logit + deep_logit
    return jax.nn.sigmoid(logits)

if __name__ == "__main__":
    import jax
    _d = setup_inputs()
    print(jax.jit(kernel)(*tuple(_d.values())))

</pallas_src>

<mosaic_0001>
#map = affine_map<(d0, d1) -> (0, 0)>
module attributes {stable_mosaic.version = 14 : i64} {
  func.func @_sc_deep_body(%arg0: i32, %arg1: i32, %arg2: memref<8x16384xi32, #tpu.memory_space<hbm>>, %arg3: memref<8000x32xf32, #tpu.memory_space<hbm>>, %arg4: memref<16384x256xf32, #tpu.memory_space<hbm>>, %arg5: memref<8x512xi32, #tpu.memory_space<vmem>>, %arg6: memref<4096xi32, #tpu.memory_space<vmem>>, %arg7: memref<512x32xf32, #tpu.memory_space<vmem>>, %arg8: memref<512x32xf32, #tpu.memory_space<vmem>>, %arg9: memref<!tpu.dma_semaphore, #tpu.memory_space<semaphore_mem>>, %arg10: memref<!tpu.dma_semaphore, #tpu.memory_space<semaphore_mem>>) attributes {dimension_semantics = [#tpu.dimension_semantics<core_parallel>, #tpu.dimension_semantics<subcore_parallel>], iteration_bounds = array<i64: 2, 16>, scalar_prefetch = 0 : i64, scratch_operands = 6 : i64, tpu.core_type = #tpu.core_type<sc_vector_subcore>, window_params = [{transform_indices = #map}, {transform_indices = #map}, {transform_indices = #map}]} {
    %mul3A = arith.constant 2 : i32
    %mul3A_0 = arith.muli %arg1, %mul3A : i32
    %add3A = arith.addi %mul3A_0, %arg0 : i32
    %mul3A_1 = arith.constant 512 : i32
    %mul3A_2 = arith.muli %add3A, %mul3A_1 : i32
    "tpu.region"() ({
      %run_scoped3A = tpu.sem_alloc : memref<!tpu.dma_semaphore, #tpu.memory_space<semaphore_mem>>
      %dma_start3A_103 = arith.constant 0 : i32
      %dma_start3A_104 = tpu.memref_slice %arg2[%dma_start3A_103, %mul3A_2] : memref<8x16384xi32, #tpu.memory_space<hbm>> -> memref<8x512xi32, #tpu.memory_space<hbm>>
      %dma_start3A_105 = arith.constant 0 : i32
      %dma_start3A_106 = tpu.memref_slice %arg2[%dma_start3A_105, %mul3A_2] : memref<8x16384xi32, #tpu.memory_space<hbm>> -> memref<8x512xi32, #tpu.memory_space<hbm>>
      tpu.enqueue_dma source(%dma_start3A_106 : memref<8x512xi32, #tpu.memory_space<hbm>>) target(%arg5 : memref<8x512xi32, #tpu.memory_space<vmem>>) target_semaphore(%run_scoped3A : memref<!tpu.dma_semaphore, #tpu.memory_space<semaphore_mem>>)
      %dma_wait3A_107 = arith.constant 0 : i32
      %dma_wait3A_108 = tpu.memref_slice %arg2[%dma_wait3A_107, %mul3A_2] : memref<8x16384xi32, #tpu.memory_space<hbm>> -> memref<8x512xi32, #tpu.memory_space<hbm>>
      %dma_wait3A_109 = arith.constant 0 : i32
      %dma_wait3A_110 = tpu.memref_slice %arg2[%dma_wait3A_109, %mul3A_2] : memref<8x16384xi32, #tpu.memory_space<hbm>> -> memref<8x512xi32, #tpu.memory_space<hbm>>
      tpu.wait_dma2 semaphore(%run_scoped3A : memref<!tpu.dma_semaphore, #tpu.memory_space<semaphore_mem>>) src(%dma_wait3A_110 : memref<8x512xi32, #tpu.memory_space<hbm>>) dst(%arg5 : memref<8x512xi32, #tpu.memory_space<vmem>>)
      tpu.yield
    }) : () -> ()
    %scan3A = arith.constant 0 : i32
    %scan3A_3 = arith.constant 0 : i32
    %scan3A_4 = arith.constant 32 : i32
    %scan3A_5 = arith.addi %scan3A_3, %scan3A_4 : i32
    %scan3A_6 = arith.constant 1 : i32
    %scan3A_7 = scf.for %scan3A_103 = %scan3A_3 to %scan3A_5 step %scan3A_6 iter_args(%scan3A_104 = %scan3A) -> (i32)  : i32 {
      %mul3A_105 = arith.constant 16 : i32
      %mul3A_106 = arith.muli %scan3A_103, %mul3A_105 : i32
      %get3A = arith.constant 0 : i32
      %get3A_107 = arith.index_cast %get3A : i32 to index
      %get3A_108 = arith.index_cast %mul3A_106 : i32 to index
      %get3A_109 = tpu.vector_load %arg5[%get3A_107, %get3A_108] {strides = array<i32>} : memref<8x512xi32, #tpu.memory_space<vmem>>, vector<1x16xi32>,
      %get3A_110 = vector.shape_cast %get3A_109 : vector<1x16xi32> to vector<16xi32>
      %add3A_111 = arith.constant 0 : i32
      %add3A_112 = vector.broadcast %add3A_111 : i32 to vector<16xi32>
      %add3A_113 = arith.addi %get3A_110, %add3A_112 : vector<16xi32>
      %add3A_114 = arith.constant 0 : i32
      %add3A_115 = arith.addi %add3A_114, %mul3A_106 : i32
      %swap3A = arith.index_cast %add3A_115 : i32 to index
      %swap3A_116 = tpu.vector_load %arg6[%swap3A] {strides = array<i32>} : memref<4096xi32, #tpu.memory_space<vmem>>, vector<16xi32>,
      %swap3A_117 = vector.shape_cast %swap3A_116 : vector<16xi32> to vector<16xi32>
      %swap3A_118 = vector.shape_cast %add3A_113 : vector<16xi32> to vector<16xi32>
      tpu.vector_store %arg6[%swap3A], %swap3A_118 {strides = array<i32>} : memref<4096xi32, #tpu.memory_space<vmem>>, vector<16xi32>,
      %get3A_119 = arith.constant 1 : i32
      %get3A_120 = arith.index_cast %get3A_119 : i32 to index
      %get3A_121 = arith.index_cast %mul3A_106 : i32 to index
      %get3A_122 = tpu.vector_load %arg5[%get3A_120, %get3A_121] {strides = array<i32>} : memref<8x512xi32, #tpu.memory_space<vmem>>, vector<1x16xi32>,
      %get3A_123 = vector.shape_cast %get3A_122 : vector<1x16xi32> to vector<16xi32>
      %add3A_124 = arith.constant 1000 : i32
      %add3A_125 = vector.broadcast %add3A_124 : i32 to vector<16xi32>
      %add3A_126 = arith.addi %get3A_123, %add3A_125 : vector<16xi32>
      %add3A_127 = arith.constant 512 : i32
      %add3A_128 = arith.addi %add3A_127, %mul3A_106 : i32
      %swap3A_129 = arith.index_cast %add3A_128 : i32 to index
      %swap3A_130 = tpu.vector_load %arg6[%swap3A_129] {strides = array<i32>} : memref<4096xi32, #tpu.memory_space<vmem>>, vector<16xi32>,
      %swap3A_131 = vector.shape_cast %swap3A_130 : vector<16xi32> to vector<16xi32>
      %swap3A_132 = vector.shape_cast %add3A_126 : vector<16xi32> to vector<16xi32>
      tpu.vector_store %arg6[%swap3A_129], %swap3A_132 {strides = array<i32>} : memref<4096xi32, #tpu.memory_space<vmem>>, vector<16xi32>,
      %get3A_133 = arith.constant 2 : i32
      %get3A_134 = arith.index_cast %get3A_133 : i32 to index
      %get3A_135 = arith.index_cast %mul3A_106 : i32 to index
      %get3A_136 = tpu.vector_load %arg5[%get3A_134, %get3A_135] {strides = array<i32>} : memref<8x512xi32, #tpu.memory_space<vmem>>, vector<1x16xi32>,
      %get3A_137 = vector.shape_cast %get3A_136 : vector<1x16xi32> to vector<16xi32>
      %add3A_138 = arith.constant 2000 : i32
      %add3A_139 = vector.broadcast %add3A_138 : i32 to vector<16xi32>
      %add3A_140 = arith.addi %get3A_137, %add3A_139 : vector<16xi32>
      %add3A_141 = arith.constant 1024 : i32
      %add3A_142 = arith.addi %add3A_141, %mul3A_106 : i32
      %swap3A_143 = arith.index_cast %add3A_142 : i32 to index
      %swap3A_144 = tpu.vector_load %arg6[%swap3A_143] {strides = array<i32>} : memref<4096xi32, #tpu.memory_space<vmem>>, vector<16xi32>,
      %swap3A_145 = vector.shape_cast %swap3A_144 : vector<16xi32> to vector<16xi32>
      %swap3A_146 = vector.shape_cast %add3A_140 : vector<16xi32> to vector<16xi32>
      tpu.vector_store %arg6[%swap3A_143], %swap3A_146 {strides = array<i32>} : memref<4096xi32, #tpu.memory_space<vmem>>, vector<16xi32>,
      %get3A_147 = arith.constant 3 : i32
      %get3A_148 = arith.index_cast %get3A_147 : i32 to index
      %get3A_149 = arith.index_cast %mul3A_106 : i32 to index
      %get3A_150 = tpu.vector_load %arg5[%get3A_148, %get3A_149] {strides = array<i32>} : memref<8x512xi32, #tpu.memory_space<vmem>>, vector<1x16xi32>,
      %get3A_151 = vector.shape_cast %get3A_150 : vector<1x16xi32> to vector<16xi32>
      %add3A_152 = arith.constant 3000 : i32
      %add3A_153 = vector.broadcast %add3A_152 : i32 to vector<16xi32>
      %add3A_154 = arith.addi %get3A_151, %add3A_153 : vector<16xi32>
      %add3A_155 = arith.constant 1536 : i32
      %add3A_156 = arith.addi %add3A_155, %mul3A_106 : i32
      %swap3A_157 = arith.index_cast %add3A_156 : i32 to index
      %swap3A_158 = tpu.vector_load %arg6[%swap3A_157] {strides = array<i32>} : memref<4096xi32, #tpu.memory_space<vmem>>, vector<16xi32>,
      %swap3A_159 = vector.shape_cast %swap3A_158 : vector<16xi32> to vector<16xi32>
      %swap3A_160 = vector.shape_cast %add3A_154 : vector<16xi32> to vector<16xi32>
      tpu.vector_store %arg6[%swap3A_157], %swap3A_160 {strides = array<i32>} : memref<4096xi32, #tpu.memory_space<vmem>>, vector<16xi32>,
      %get3A_161 = arith.constant 4 : i32
      %get3A_162 = arith.index_cast %get3A_161 : i32 to index
      %get3A_163 = arith.index_cast %mul3A_106 : i32 to index
      %get3A_164 = tpu.vector_load %arg5[%get3A_162, %get3A_163] {strides = array<i32>} : memref<8x512xi32, #tpu.memory_space<vmem>>, vector<1x16xi32>,
      %get3A_165 = vector.shape_cast %get3A_164 : vector<1x16xi32> to vector<16xi32>
      %add3A_166 = arith.constant 4000 : i32
      %add3A_167 = vector.broadcast %add3A_166 : i32 to vector<16xi32>
      %add3A_168 = arith.addi %get3A_165, %add3A_167 : vector<16xi32>
      %add3A_169 = arith.constant 2048 : i32
      %add3A_170 = arith.addi %add3A_169, %mul3A_106 : i32
      %swap3A_171 = arith.index_cast %add3A_170 : i32 to index
      %swap3A_172 = tpu.vector_load %arg6[%swap3A_171] {strides = array<i32>} : memref<4096xi32, #tpu.memory_space<vmem>>, vector<16xi32>,
      %swap3A_173 = vector.shape_cast %swap3A_172 : vector<16xi32> to vector<16xi32>
      %swap3A_174 = vector.shape_cast %add3A_168 : vector<16xi32> to vector<16xi32>
      tpu.vector_store %arg6[%swap3A_171], %swap3A_174 {strides = array<i32>} : memref<4096xi32, #tpu.memory_space<vmem>>, vector<16xi32>,
      %get3A_175 = arith.constant 5 : i32
      %get3A_176 = arith.index_cast %get3A_175 : i32 to index
      %get3A_177 = arith.index_cast %mul3A_106 : i32 to index
      %get3A_178 = tpu.vector_load %arg5[%get3A_176, %get3A_177] {strides = array<i32>} : memref<8x512xi32, #tpu.memory_space<vmem>>, vector<1x16xi32>,
      %get3A_179 = vector.shape_cast %get3A_178 : vector<1x16xi32> to vector<16xi32>
      %add3A_180 = arith.constant 5000 : i32
      %add3A_181 = vector.broadcast %add3A_180 : i32 to vector<16xi32>
      %add3A_182 = arith.addi %get3A_179, %add3A_181 : vector<16xi32>
      %add3A_183 = arith.constant 2560 : i32
      %add3A_184 = arith.addi %add3A_183, %mul3A_106 : i32
      %swap3A_185 = arith.index_cast %add3A_184 : i32 to index
      %swap3A_186 = tpu.vector_load %arg6[%swap3A_185] {strides = array<i32>} : memref<4096xi32, #tpu.memory_space<vmem>>, vector<16xi32>,
      %swap3A_187 = vector.shape_cast %swap3A_186 : vector<16xi32> to vector<16xi32>
      %swap3A_188 = vector.shape_cast %add3A_182 : vector<16xi32> to vector<16xi32>
      tpu.vector_store %arg6[%swap3A_185], %swap3A_188 {strides = array<i32>} : memref<4096xi32, #tpu.memory_space<vmem>>, vector<16xi32>,
      %get3A_189 = arith.constant 6 : i32
      %get3A_190 = arith.index_cast %get3A_189 : i32 to index
      %get3A_191 = arith.index_cast %mul3A_106 : i32 to index
      %get3A_192 = tpu.vector_load %arg5[%get3A_190, %get3A_191] {strides = array<i32>} : memref<8x512xi32, #tpu.memory_space<vmem>>, vector<1x16xi32>,
      %get3A_193 = vector.shape_cast %get3A_192 : vector<1x16xi32> to vector<16xi32>
      %add3A_194 = arith.constant 6000 : i32
      %add3A_195 = vector.broadcast %add3A_194 : i32 to vector<16xi32>
      %add3A_196 = arith.addi %get3A_193, %add3A_195 : vector<16xi32>
      %add3A_197 = arith.constant 3072 : i32
      %add3A_198 = arith.addi %add3A_197, %mul3A_106 : i32
      %swap3A_199 = arith.index_cast %add3A_198 : i32 to index
      %swap3A_200 = tpu.vector_load %arg6[%swap3A_199] {strides = array<i32>} : memref<4096xi32, #tpu.memory_space<vmem>>, vector<16xi32>,
      %swap3A_201 = vector.shape_cast %swap3A_200 : vector<16xi32> to vector<16xi32>
      %swap3A_202 = vector.shape_cast %add3A_196 : vector<16xi32> to vector<16xi32>
      tpu.vector_store %arg6[%swap3A_199], %swap3A_202 {strides = array<i32>} : memref<4096xi32, #tpu.memory_space<vmem>>, vector<16xi32>,
      %get3A_203 = arith.constant 7 : i32
      %get3A_204 = arith.index_cast %get3A_203 : i32 to index
      %get3A_205 = arith.index_cast %mul3A_106 : i32 to index
      %get3A_206 = tpu.vector_load %arg5[%get3A_204, %get3A_205] {strides = array<i32>} : memref<8x512xi32, #tpu.memory_space<vmem>>, vector<1x16xi32>,
      %get3A_207 = vector.shape_cast %get3A_206 : vector<1x16xi32> to vector<16xi32>
      %add3A_208 = arith.constant 7000 : i32
      %add3A_209 = vector.broadcast %add3A_208 : i32 to vector<16xi32>
      %add3A_210 = arith.addi %get3A_207, %add3A_209 : vector<16xi32>
      %add3A_211 = arith.constant 3584 : i32
      %add3A_212 = arith.addi %add3A_211, %mul3A_106 : i32
      %swap3A_213 = arith.index_cast %add3A_212 : i32 to index
      %swap3A_214 = tpu.vector_load %arg6[%swap3A_213] {strides = array<i32>} : memref<4096xi32, #tpu.memory_space<vmem>>, vector<16xi32>,
      %swap3A_215 = vector.shape_cast %swap3A_214 : vector<16xi32> to vector<16xi32>
      %swap3A_216 = vector.shape_cast %add3A_210 : vector<16xi32> to vector<16xi32>
      tpu.vector_store %arg6[%swap3A_213], %swap3A_216 {strides = array<i32>} : memref<4096xi32, #tpu.memory_space<vmem>>, vector<16xi32>,
      %scan3A_217 = arith.constant 0 : i32
      scf.yield %scan3A_217 : i32
    }
    %scan3A_8 = arith.constant 32 : i32
    %dma_start3A = arith.constant 0 : i32
    %dma_start3A_9 = tpu.memref_slice %arg6[%dma_start3A] : memref<4096xi32, #tpu.memory_space<vmem>> -> memref<512xi32, #tpu.memory_space<vmem>>
    %dma_start3A_10 = arith.constant 0 : i32
    %dma_start3A_11 = arith.constant 0 : i32
    %dma_start3A_12 = tpu.memref_slice %arg3[%dma_start3A_10, %dma_start3A_11] : memref<8000x32xf32, #tpu.memory_space<hbm>> -> memref<8000x32xf32, #tpu.memory_space<hbm>>
    tpu.enqueue_indirect_dma source(%dma_start3A_12 : memref<8000x32xf32, #tpu.memory_space<hbm>>) target(%arg7 : memref<512x32xf32, #tpu.memory_space<vmem>>) offsets(%dma_start3A_9 : memref<512xi32, #tpu.memory_space<vmem>>) semaphore(%arg9 : memref<!tpu.dma_semaphore, #tpu.memory_space<semaphore_mem>>)
    %dma_start3A_13 = arith.constant 512 : i32
    %dma_start3A_14 = tpu.memref_slice %arg6[%dma_start3A_13] : memref<4096xi32, #tpu.memory_space<vmem>> -> memref<512xi32, #tpu.memory_space<vmem>>
    %dma_start3A_15 = arith.constant 0 : i32
    %dma_start3A_16 = arith.constant 0 : i32
    %dma_start3A_17 = tpu.memref_slice %arg3[%dma_start3A_15, %dma_start3A_16] : memref<8000x32xf32, #tpu.memory_space<hbm>> -> memref<8000x32xf32, #tpu.memory_space<hbm>>
    tpu.enqueue_indirect_dma source(%dma_start3A_17 : memref<8000x32xf32, #tpu.memory_space<hbm>>) target(%arg8 : memref<512x32xf32, #tpu.memory_space<vmem>>) offsets(%dma_start3A_14 : memref<512xi32, #tpu.memory_space<vmem>>) semaphore(%arg10 : memref<!tpu.dma_semaphore, #tpu.memory_space<semaphore_mem>>)
    %dma_wait3A = arith.constant 0 : i32
    %dma_wait3A_18 = tpu.memref_slice %arg6[%dma_wait3A] : memref<4096xi32, #tpu.memory_space<vmem>> -> memref<512xi32, #tpu.memory_space<vmem>>
    %dma_wait3A_19 = arith.constant 0 : i32
    %dma_wait3A_20 = arith.constant 0 : i32
    %dma_wait3A_21 = tpu.memref_slice %arg3[%dma_wait3A_19, %dma_wait3A_20] : memref<8000x32xf32, #tpu.memory_space<hbm>> -> memref<8000x32xf32, #tpu.memory_space<hbm>>
    tpu.wait_indirect_dma semaphore(%arg9 : memref<!tpu.dma_semaphore, #tpu.memory_space<semaphore_mem>>) src(%dma_wait3A_21 : memref<8000x32xf32, #tpu.memory_space<hbm>>) dst(%arg7 : memref<512x32xf32, #tpu.memory_space<vmem>>)
    %mul3A_22 = arith.constant 512 : i32
    %mul3A_23 = arith.muli %add3A, %mul3A_22 : i32
    "tpu.region"() ({
      %run_scoped3A = tpu.sem_alloc : memref<!tpu.dma_semaphore, #tpu.memory_space<semaphore_mem>>
      %dma_start3A_103 = arith.constant 0 : i32
      %dma_start3A_104 = tpu.memref_slice %arg4[%mul3A_23, %dma_start3A_103] : memref<16384x256xf32, #tpu.memory_space<hbm>> -> memref<512x32xf32, #tpu.memory_space<hbm>>
      %dma_start3A_105 = arith.constant 0 : i32
      %dma_start3A_106 = tpu.memref_slice %arg4[%mul3A_23, %dma_start3A_105] : memref<16384x256xf32, #tpu.memory_space<hbm>> -> memref<512x32xf32, #tpu.memory_space<hbm>>
      tpu.enqueue_dma source(%arg7 : memref<512x32xf32, #tpu.memory_space<vmem>>) target(%dma_start3A_106 : memref<512x32xf32, #tpu.memory_space<hbm>>) target_semaphore(%run_scoped3A : memref<!tpu.dma_semaphore, #tpu.memory_space<semaphore_mem>>)
      %dma_wait3A_107 = arith.constant 0 : i32
      %dma_wait3A_108 = tpu.memref_slice %arg4[%mul3A_23, %dma_wait3A_107] : memref<16384x256xf32, #tpu.memory_space<hbm>> -> memref<512x32xf32, #tpu.memory_space<hbm>>
      %dma_wait3A_109 = arith.constant 0 : i32
      %dma_wait3A_110 = tpu.memref_slice %arg4[%mul3A_23, %dma_wait3A_109] : memref<16384x256xf32, #tpu.memory_space<hbm>> -> memref<512x32xf32, #tpu.memory_space<hbm>>
      tpu.wait_dma2 semaphore(%run_scoped3A : memref<!tpu.dma_semaphore, #tpu.memory_space<semaphore_mem>>) src(%arg7 : memref<512x32xf32, #tpu.memory_space<vmem>>) dst(%dma_wait3A_110 : memref<512x32xf32, #tpu.memory_space<hbm>>)
      tpu.yield
    }) : () -> ()
    %dma_start3A_24 = arith.constant 1024 : i32
    %dma_start3A_25 = tpu.memref_slice %arg6[%dma_start3A_24] : memref<4096xi32, #tpu.memory_space<vmem>> -> memref<512xi32, #tpu.memory_space<vmem>>
    %dma_start3A_26 = arith.constant 0 : i32
    %dma_start3A_27 = arith.constant 0 : i32
    %dma_start3A_28 = tpu.memref_slice %arg3[%dma_start3A_26, %dma_start3A_27] : memref<8000x32xf32, #tpu.memory_space<hbm>> -> memref<8000x32xf32, #tpu.memory_space<hbm>>
    tpu.enqueue_indirect_dma source(%dma_start3A_28 : memref<8000x32xf32, #tpu.memory_space<hbm>>) target(%arg7 : memref<512x32xf32, #tpu.memory_space<vmem>>) offsets(%dma_start3A_25 : memref<512xi32, #tpu.memory_space<vmem>>) semaphore(%arg9 : memref<!tpu.dma_semaphore, #tpu.memory_space<semaphore_mem>>)
    %dma_wait3A_29 = arith.constant 512 : i32
    %dma_wait3A_30 = tpu.memref_slice %arg6[%dma_wait3A_29] : memref<4096xi32, #tpu.memory_space<vmem>> -> memref<512xi32, #tpu.memory_space<vmem>>
    %dma_wait3A_31 = arith.constant 0 : i32
    %dma_wait3A_32 = arith.constant 0 : i32
    %dma_wait3A_33 = tpu.memref_slice %arg3[%dma_wait3A_31, %dma_wait3A_32] : memref<8000x32xf32, #tpu.memory_space<hbm>> -> memref<8000x32xf32, #tpu.memory_space<hbm>>
    tpu.wait_indirect_dma semaphore(%arg10 : memref<!tpu.dma_semaphore, #tpu.memory_space<semaphore_mem>>) src(%dma_wait3A_33 : memref<8000x32xf32, #tpu.memory_space<hbm>>) dst(%arg8 : memref<512x32xf32, #tpu.memory_space<vmem>>)
    %mul3A_34 = arith.constant 512 : i32
    %mul3A_35 = arith.muli %add3A, %mul3A_34 : i32
    "tpu.region"() ({
      %run_scoped3A = tpu.sem_alloc : memref<!tpu.dma_semaphore, #tpu.memory_space<semaphore_mem>>
      %dma_start3A_103 = arith.constant 32 : i32
      %dma_start3A_104 = tpu.memref_slice %arg4[%mul3A_35, %dma_start3A_103] : memref<16384x256xf32, #tpu.memory_space<hbm>> -> memref<512x32xf32, #tpu.memory_space<hbm>>
      %dma_start3A_105 = arith.constant 32 : i32
      %dma_start3A_106 = tpu.memref_slice %arg4[%mul3A_35, %dma_start3A_105] : memref<16384x256xf32, #tpu.memory_space<hbm>> -> memref<512x32xf32, #tpu.memory_space<hbm>>
      tpu.enqueue_dma source(%arg8 : memref<512x32xf32, #tpu.memory_space<vmem>>) target(%dma_start3A_106 : memref<512x32xf32, #tpu.memory_space<hbm>>) target_semaphore(%run_scoped3A : memref<!tpu.dma_semaphore, #tpu.memory_space<semaphore_mem>>)
      %dma_wait3A_107 = arith.constant 32 : i32
      %dma_wait3A_108 = tpu.memref_slice %arg4[%mul3A_35, %dma_wait3A_107] : memref<16384x256xf32, #tpu.memory_space<hbm>> -> memref<512x32xf32, #tpu.memory_space<hbm>>
      %dma_wait3A_109 = arith.constant 32 : i32
      %dma_wait3A_110 = tpu.memref_slice %arg4[%mul3A_35, %dma_wait3A_109] : memref<16384x256xf32, #tpu.memory_space<hbm>> -> memref<512x32xf32, #tpu.memory_space<hbm>>
      tpu.wait_dma2 semaphore(%run_scoped3A : memref<!tpu.dma_semaphore, #tpu.memory_space<semaphore_mem>>) src(%arg8 : memref<512x32xf32, #tpu.memory_space<vmem>>) dst(%dma_wait3A_110 : memref<512x32xf32, #tpu.memory_space<hbm>>)
      tpu.yield
    }) : () -> ()
    %dma_start3A_36 = arith.constant 1536 : i32
    %dma_start3A_37 = tpu.memref_slice %arg6[%dma_start3A_36] : memref<4096xi32, #tpu.memory_space<vmem>> -> memref<512xi32, #tpu.memory_space<vmem>>
    %dma_start3A_38 = arith.constant 0 : i32
    %dma_start3A_39 = arith.constant 0 : i32
    %dma_start3A_40 = tpu.memref_slice %arg3[%dma_start3A_38, %dma_start3A_39] : memref<8000x32xf32, #tpu.memory_space<hbm>> -> memref<8000x32xf32, #tpu.memory_space<hbm>>
    tpu.enqueue_indirect_dma source(%dma_start3A_40 : memref<8000x32xf32, #tpu.memory_space<hbm>>) target(%arg8 : memref<512x32xf32, #tpu.memory_space<vmem>>) offsets(%dma_start3A_37 : memref<512xi32, #tpu.memory_space<vmem>>) semaphore(%arg10 : memref<!tpu.dma_semaphore, #tpu.memory_space<semaphore_mem>>)
    %dma_wait3A_41 = arith.constant 1024 : i32
    %dma_wait3A_42 = tpu.memref_slice %arg6[%dma_wait3A_41] : memref<4096xi32, #tpu.memory_space<vmem>> -> memref<512xi32, #tpu.memory_space<vmem>>
    %dma_wait3A_43 = arith.constant 0 : i32
    %dma_wait3A_44 = arith.constant 0 : i32
    %dma_wait3A_45 = tpu.memref_slice %arg3[%dma_wait3A_43, %dma_wait3A_44] : memref<8000x32xf32, #tpu.memory_space<hbm>> -> memref<8000x32xf32, #tpu.memory_space<hbm>>
    tpu.wait_indirect_dma semaphore(%arg9 : memref<!tpu.dma_semaphore, #tpu.memory_space<semaphore_mem>>) src(%dma_wait3A_45 : memref<8000x32xf32, #tpu.memory_space<hbm>>) dst(%arg7 : memref<512x32xf32, #tpu.memory_space<vmem>>)
    %mul3A_46 = arith.constant 512 : i32
    %mul3A_47 = arith.muli %add3A, %mul3A_46 : i32
    "tpu.region"() ({
      %run_scoped3A = tpu.sem_alloc : memref<!tpu.dma_semaphore, #tpu.memory_space<semaphore_mem>>
      %dma_start3A_103 = arith.constant 64 : i32
      %dma_start3A_104 = tpu.memref_slice %arg4[%mul3A_47, %dma_start3A_103] : memref<16384x256xf32, #tpu.memory_space<hbm>> -> memref<512x32xf32, #tpu.memory_space<hbm>>
      %dma_start3A_105 = arith.constant 64 : i32
      %dma_start3A_106 = tpu.memref_slice %arg4[%mul3A_47, %dma_start3A_105] : memref<16384x256xf32, #tpu.memory_space<hbm>> -> memref<512x32xf32, #tpu.memory_space<hbm>>
      tpu.enqueue_dma source(%arg7 : memref<512x32xf32, #tpu.memory_space<vmem>>) target(%dma_start3A_106 : memref<512x32xf32, #tpu.memory_space<hbm>>) target_semaphore(%run_scoped3A : memref<!tpu.dma_semaphore, #tpu.memory_space<semaphore_mem>>)
      %dma_wait3A_107 = arith.constant 64 : i32
      %dma_wait3A_108 = tpu.memref_slice %arg4[%mul3A_47, %dma_wait3A_107] : memref<16384x256xf32, #tpu.memory_space<hbm>> -> memref<512x32xf32, #tpu.memory_space<hbm>>
      %dma_wait3A_109 = arith.constant 64 : i32
      %dma_wait3A_110 = tpu.memref_slice %arg4[%mul3A_47, %dma_wait3A_109] : memref<16384x256xf32, #tpu.memory_space<hbm>> -> memref<512x32xf32, #tpu.memory_space<hbm>>
      tpu.wait_dma2 semaphore(%run_scoped3A : memref<!tpu.dma_semaphore, #tpu.memory_space<semaphore_mem>>) src(%arg7 : memref<512x32xf32, #tpu.memory_space<vmem>>) dst(%dma_wait3A_110 : memref<512x32xf32, #tpu.memory_space<hbm>>)
      tpu.yield
    }) : () -> ()
    %dma_start3A_48 = arith.constant 2048 : i32
    %dma_start3A_49 = tpu.memref_slice %arg6[%dma_start3A_48] : memref<4096xi32, #tpu.memory_space<vmem>> -> memref<512xi32, #tpu.memory_space<vmem>>
    %dma_start3A_50 = arith.constant 0 : i32
    %dma_start3A_51 = arith.constant 0 : i32
    %dma_start3A_52 = tpu.memref_slice %arg3[%dma_start3A_50, %dma_start3A_51] : memref<8000x32xf32, #tpu.memory_space<hbm>> -> memref<8000x32xf32, #tpu.memory_space<hbm>>
    tpu.enqueue_indirect_dma source(%dma_start3A_52 : memref<8000x32xf32, #tpu.memory_space<hbm>>) target(%arg7 : memref<512x32xf32, #tpu.memory_space<vmem>>) offsets(%dma_start3A_49 : memref<512xi32, #tpu.memory_space<vmem>>) semaphore(%arg9 : memref<!tpu.dma_semaphore, #tpu.memory_space<semaphore_mem>>)
    %dma_wait3A_53 = arith.constant 1536 : i32
    %dma_wait3A_54 = tpu.memref_slice %arg6[%dma_wait3A_53] : memref<4096xi32, #tpu.memory_space<vmem>> -> memref<512xi32, #tpu.memory_space<vmem>>
    %dma_wait3A_55 = arith.constant 0 : i32
    %dma_wait3A_56 = arith.constant 0 : i32
    %dma_wait3A_57 = tpu.memref_slice %arg3[%dma_wait3A_55, %dma_wait3A_56] : memref<8000x32xf32, #tpu.memory_space<hbm>> -> memref<8000x32xf32, #tpu.memory_space<hbm>>
    tpu.wait_indirect_dma semaphore(%arg10 : memref<!tpu.dma_semaphore, #tpu.memory_space<semaphore_mem>>) src(%dma_wait3A_57 : memref<8000x32xf32, #tpu.memory_space<hbm>>) dst(%arg8 : memref<512x32xf32, #tpu.memory_space<vmem>>)
    %mul3A_58 = arith.constant 512 : i32
    %mul3A_59 = arith.muli %add3A, %mul3A_58 : i32
    "tpu.region"() ({
      %run_scoped3A = tpu.sem_alloc : memref<!tpu.dma_semaphore, #tpu.memory_space<semaphore_mem>>
      %dma_start3A_103 = arith.constant 96 : i32
      %dma_start3A_104 = tpu.memref_slice %arg4[%mul3A_59, %dma_start3A_103] : memref<16384x256xf32, #tpu.memory_space<hbm>> -> memref<512x32xf32, #tpu.memory_space<hbm>>
      %dma_start3A_105 = arith.constant 96 : i32
      %dma_start3A_106 = tpu.memref_slice %arg4[%mul3A_59, %dma_start3A_105] : memref<16384x256xf32, #tpu.memory_space<hbm>> -> memref<512x32xf32, #tpu.memory_space<hbm>>
      tpu.enqueue_dma source(%arg8 : memref<512x32xf32, #tpu.memory_space<vmem>>) target(%dma_start3A_106 : memref<512x32xf32, #tpu.memory_space<hbm>>) target_semaphore(%run_scoped3A : memref<!tpu.dma_semaphore, #tpu.memory_space<semaphore_mem>>)
      %dma_wait3A_107 = arith.constant 96 : i32
      %dma_wait3A_108 = tpu.memref_slice %arg4[%mul3A_59, %dma_wait3A_107] : memref<16384x256xf32, #tpu.memory_space<hbm>> -> memref<512x32xf32, #tpu.memory_space<hbm>>
      %dma_wait3A_109 = arith.constant 96 : i32
      %dma_wait3A_110 = tpu.memref_slice %arg4[%mul3A_59, %dma_wait3A_109] : memref<16384x256xf32, #tpu.memory_space<hbm>> -> memref<512x32xf32, #tpu.memory_space<hbm>>
      tpu.wait_dma2 semaphore(%run_scoped3A : memref<!tpu.dma_semaphore, #tpu.memory_space<semaphore_mem>>) src(%arg8 : memref<512x32xf32, #tpu.memory_space<vmem>>) dst(%dma_wait3A_110 : memref<512x32xf32, #tpu.memory_space<hbm>>)
      tpu.yield
    }) : () -> ()
    %dma_start3A_60 = arith.constant 2560 : i32
    %dma_start3A_61 = tpu.memref_slice %arg6[%dma_start3A_60] : memref<4096xi32, #tpu.memory_space<vmem>> -> memref<512xi32, #tpu.memory_space<vmem>>
    %dma_start3A_62 = arith.constant 0 : i32
    %dma_start3A_63 = arith.constant 0 : i32
    %dma_start3A_64 = tpu.memref_slice %arg3[%dma_start3A_62, %dma_start3A_63] : memref<8000x32xf32, #tpu.memory_space<hbm>> -> memref<8000x32xf32, #tpu.memory_space<hbm>>
    tpu.enqueue_indirect_dma source(%dma_start3A_64 : memref<8000x32xf32, #tpu.memory_space<hbm>>) target(%arg8 : memref<512x32xf32, #tpu.memory_space<vmem>>) offsets(%dma_start3A_61 : memref<512xi32, #tpu.memory_space<vmem>>) semaphore(%arg10 : memref<!tpu.dma_semaphore, #tpu.memory_space<semaphore_mem>>)
    %dma_wait3A_65 = arith.constant 2048 : i32
    %dma_wait3A_66 = tpu.memref_slice %arg6[%dma_wait3A_65] : memref<4096xi32, #tpu.memory_space<vmem>> -> memref<512xi32, #tpu.memory_space<vmem>>
    %dma_wait3A_67 = arith.constant 0 : i32
    %dma_wait3A_68 = arith.constant 0 : i32
    %dma_wait3A_69 = tpu.memref_slice %arg3[%dma_wait3A_67, %dma_wait3A_68] : memref<8000x32xf32, #tpu.memory_space<hbm>> -> memref<8000x32xf32, #tpu.memory_space<hbm>>
    tpu.wait_indirect_dma semaphore(%arg9 : memref<!tpu.dma_semaphore, #tpu.memory_space<semaphore_mem>>) src(%dma_wait3A_69 : memref<8000x32xf32, #tpu.memory_space<hbm>>) dst(%arg7 : memref<512x32xf32, #tpu.memory_space<vmem>>)
    %mul3A_70 = arith.constant 512 : i32
    %mul3A_71 = arith.muli %add3A, %mul3A_70 : i32
    "tpu.region"() ({
      %run_scoped3A = tpu.sem_alloc : memref<!tpu.dma_semaphore, #tpu.memory_space<semaphore_mem>>
      %dma_start3A_103 = arith.constant 128 : i32
      %dma_start3A_104 = tpu.memref_slice %arg4[%mul3A_71, %dma_start3A_103] : memref<16384x256xf32, #tpu.memory_space<hbm>> -> memref<512x32xf32, #tpu.memory_space<hbm>>
      %dma_start3A_105 = arith.constant 128 : i32
      %dma_start3A_106 = tpu.memref_slice %arg4[%mul3A_71, %dma_start3A_105] : memref<16384x256xf32, #tpu.memory_space<hbm>> -> memref<512x32xf32, #tpu.memory_space<hbm>>
      tpu.enqueue_dma source(%arg7 : memref<512x32xf32, #tpu.memory_space<vmem>>) target(%dma_start3A_106 : memref<512x32xf32, #tpu.memory_space<hbm>>) target_semaphore(%run_scoped3A : memref<!tpu.dma_semaphore, #tpu.memory_space<semaphore_mem>>)
      %dma_wait3A_107 = arith.constant 128 : i32
      %dma_wait3A_108 = tpu.memref_slice %arg4[%mul3A_71, %dma_wait3A_107] : memref<16384x256xf32, #tpu.memory_space<hbm>> -> memref<512x32xf32, #tpu.memory_space<hbm>>
      %dma_wait3A_109 = arith.constant 128 : i32
      %dma_wait3A_110 = tpu.memref_slice %arg4[%mul3A_71, %dma_wait3A_109] : memref<16384x256xf32, #tpu.memory_space<hbm>> -> memref<512x32xf32, #tpu.memory_space<hbm>>
      tpu.wait_dma2 semaphore(%run_scoped3A : memref<!tpu.dma_semaphore, #tpu.memory_space<semaphore_mem>>) src(%arg7 : memref<512x32xf32, #tpu.memory_space<vmem>>) dst(%dma_wait3A_110 : memref<512x32xf32, #tpu.memory_space<hbm>>)
      tpu.yield
    }) : () -> ()
    %dma_start3A_72 = arith.constant 3072 : i32
    %dma_start3A_73 = tpu.memref_slice %arg6[%dma_start3A_72] : memref<4096xi32, #tpu.memory_space<vmem>> -> memref<512xi32, #tpu.memory_space<vmem>>
    %dma_start3A_74 = arith.constant 0 : i32
    %dma_start3A_75 = arith.constant 0 : i32
    %dma_start3A_76 = tpu.memref_slice %arg3[%dma_start3A_74, %dma_start3A_75] : memref<8000x32xf32, #tpu.memory_space<hbm>> -> memref<8000x32xf32, #tpu.memory_space<hbm>>
    tpu.enqueue_indirect_dma source(%dma_start3A_76 : memref<8000x32xf32, #tpu.memory_space<hbm>>) target(%arg7 : memref<512x32xf32, #tpu.memory_space<vmem>>) offsets(%dma_start3A_73 : memref<512xi32, #tpu.memory_space<vmem>>) semaphore(%arg9 : memref<!tpu.dma_semaphore, #tpu.memory_space<semaphore_mem>>)
    %dma_wait3A_77 = arith.constant 2560 : i32
    %dma_wait3A_78 = tpu.memref_slice %arg6[%dma_wait3A_77] : memref<4096xi32, #tpu.memory_space<vmem>> -> memref<512xi32, #tpu.memory_space<vmem>>
    %dma_wait3A_79 = arith.constant 0 : i32
    %dma_wait3A_80 = arith.constant 0 : i32
    %dma_wait3A_81 = tpu.memref_slice %arg3[%dma_wait3A_79, %dma_wait3A_80] : memref<8000x32xf32, #tpu.memory_space<hbm>> -> memref<8000x32xf32, #tpu.memory_space<hbm>>
    tpu.wait_indirect_dma semaphore(%arg10 : memref<!tpu.dma_semaphore, #tpu.memory_space<semaphore_mem>>) src(%dma_wait3A_81 : memref<8000x32xf32, #tpu.memory_space<hbm>>) dst(%arg8 : memref<512x32xf32, #tpu.memory_space<vmem>>)
    %mul3A_82 = arith.constant 512 : i32
    %mul3A_83 = arith.muli %add3A, %mul3A_82 : i32
    "tpu.region"() ({
      %run_scoped3A = tpu.sem_alloc : memref<!tpu.dma_semaphore, #tpu.memory_space<semaphore_mem>>
      %dma_start3A_103 = arith.constant 160 : i32
      %dma_start3A_104 = tpu.memref_slice %arg4[%mul3A_83, %dma_start3A_103] : memref<16384x256xf32, #tpu.memory_space<hbm>> -> memref<512x32xf32, #tpu.memory_space<hbm>>
      %dma_start3A_105 = arith.constant 160 : i32
      %dma_start3A_106 = tpu.memref_slice %arg4[%mul3A_83, %dma_start3A_105] : memref<16384x256xf32, #tpu.memory_space<hbm>> -> memref<512x32xf32, #tpu.memory_space<hbm>>
      tpu.enqueue_dma source(%arg8 : memref<512x32xf32, #tpu.memory_space<vmem>>) target(%dma_start3A_106 : memref<512x32xf32, #tpu.memory_space<hbm>>) target_semaphore(%run_scoped3A : memref<!tpu.dma_semaphore, #tpu.memory_space<semaphore_mem>>)
      %dma_wait3A_107 = arith.constant 160 : i32
      %dma_wait3A_108 = tpu.memref_slice %arg4[%mul3A_83, %dma_wait3A_107] : memref<16384x256xf32, #tpu.memory_space<hbm>> -> memref<512x32xf32, #tpu.memory_space<hbm>>
      %dma_wait3A_109 = arith.constant 160 : i32
      %dma_wait3A_110 = tpu.memref_slice %arg4[%mul3A_83, %dma_wait3A_109] : memref<16384x256xf32, #tpu.memory_space<hbm>> -> memref<512x32xf32, #tpu.memory_space<hbm>>
      tpu.wait_dma2 semaphore(%run_scoped3A : memref<!tpu.dma_semaphore, #tpu.memory_space<semaphore_mem>>) src(%arg8 : memref<512x32xf32, #tpu.memory_space<vmem>>) dst(%dma_wait3A_110 : memref<512x32xf32, #tpu.memory_space<hbm>>)
      tpu.yield
    }) : () -> ()
    %dma_start3A_84 = arith.constant 3584 : i32
    %dma_start3A_85 = tpu.memref_slice %arg6[%dma_start3A_84] : memref<4096xi32, #tpu.memory_space<vmem>> -> memref<512xi32, #tpu.memory_space<vmem>>
    %dma_start3A_86 = arith.constant 0 : i32
    %dma_start3A_87 = arith.constant 0 : i32
    %dma_start3A_88 = tpu.memref_slice %arg3[%dma_start3A_86, %dma_start3A_87] : memref<8000x32xf32, #tpu.memory_space<hbm>> -> memref<8000x32xf32, #tpu.memory_space<hbm>>
    tpu.enqueue_indirect_dma source(%dma_start3A_88 : memref<8000x32xf32, #tpu.memory_space<hbm>>) target(%arg8 : memref<512x32xf32, #tpu.memory_space<vmem>>) offsets(%dma_start3A_85 : memref<512xi32, #tpu.memory_space<vmem>>) semaphore(%arg10 : memref<!tpu.dma_semaphore, #tpu.memory_space<semaphore_mem>>)
    %dma_wait3A_89 = arith.constant 3072 : i32
    %dma_wait3A_90 = tpu.memref_slice %arg6[%dma_wait3A_89] : memref<4096xi32, #tpu.memory_space<vmem>> -> memref<512xi32, #tpu.memory_space<vmem>>
    %dma_wait3A_91 = arith.constant 0 : i32
    %dma_wait3A_92 = arith.constant 0 : i32
    %dma_wait3A_93 = tpu.memref_slice %arg3[%dma_wait3A_91, %dma_wait3A_92] : memref<8000x32xf32, #tpu.memory_space<hbm>> -> memref<8000x32xf32, #tpu.memory_space<hbm>>
    tpu.wait_indirect_dma semaphore(%arg9 : memref<!tpu.dma_semaphore, #tpu.memory_space<semaphore_mem>>) src(%dma_wait3A_93 : memref<8000x32xf32, #tpu.memory_space<hbm>>) dst(%arg7 : memref<512x32xf32, #tpu.memory_space<vmem>>)
    %mul3A_94 = arith.constant 512 : i32
    %mul3A_95 = arith.muli %add3A, %mul3A_94 : i32
    "tpu.region"() ({
      %run_scoped3A = tpu.sem_alloc : memref<!tpu.dma_semaphore, #tpu.memory_space<semaphore_mem>>
      %dma_start3A_103 = arith.constant 192 : i32
      %dma_start3A_104 = tpu.memref_slice %arg4[%mul3A_95, %dma_start3A_103] : memref<16384x256xf32, #tpu.memory_space<hbm>> -> memref<512x32xf32, #tpu.memory_space<hbm>>
      %dma_start3A_105 = arith.constant 192 : i32
      %dma_start3A_106 = tpu.memref_slice %arg4[%mul3A_95, %dma_start3A_105] : memref<16384x256xf32, #tpu.memory_space<hbm>> -> memref<512x32xf32, #tpu.memory_space<hbm>>
      tpu.enqueue_dma source(%arg7 : memref<512x32xf32, #tpu.memory_space<vmem>>) target(%dma_start3A_106 : memref<512x32xf32, #tpu.memory_space<hbm>>) target_semaphore(%run_scoped3A : memref<!tpu.dma_semaphore, #tpu.memory_space<semaphore_mem>>)
      %dma_wait3A_107 = arith.constant 192 : i32
      %dma_wait3A_108 = tpu.memref_slice %arg4[%mul3A_95, %dma_wait3A_107] : memref<16384x256xf32, #tpu.memory_space<hbm>> -> memref<512x32xf32, #tpu.memory_space<hbm>>
      %dma_wait3A_109 = arith.constant 192 : i32
      %dma_wait3A_110 = tpu.memref_slice %arg4[%mul3A_95, %dma_wait3A_109] : memref<16384x256xf32, #tpu.memory_space<hbm>> -> memref<512x32xf32, #tpu.memory_space<hbm>>
      tpu.wait_dma2 semaphore(%run_scoped3A : memref<!tpu.dma_semaphore, #tpu.memory_space<semaphore_mem>>) src(%arg7 : memref<512x32xf32, #tpu.memory_space<vmem>>) dst(%dma_wait3A_110 : memref<512x32xf32, #tpu.memory_space<hbm>>)
      tpu.yield
    }) : () -> ()
    %dma_wait3A_96 = arith.constant 3584 : i32
    %dma_wait3A_97 = tpu.memref_slice %arg6[%dma_wait3A_96] : memref<4096xi32, #tpu.memory_space<vmem>> -> memref<512xi32, #tpu.memory_space<vmem>>
    %dma_wait3A_98 = arith.constant 0 : i32
    %dma_wait3A_99 = arith.constant 0 : i32
    %dma_wait3A_100 = tpu.memref_slice %arg3[%dma_wait3A_98, %dma_wait3A_99] : memref<8000x32xf32, #tpu.memory_space<hbm>> -> memref<8000x32xf32, #tpu.memory_space<hbm>>
    tpu.wait_indirect_dma semaphore(%arg10 : memref<!tpu.dma_semaphore, #tpu.memory_space<semaphore_mem>>) src(%dma_wait3A_100 : memref<8000x32xf32, #tpu.memory_space<hbm>>) dst(%arg8 : memref<512x32xf32, #tpu.memory_space<vmem>>)
    %mul3A_101 = arith.constant 512 : i32
    %mul3A_102 = arith.muli %add3A, %mul3A_101 : i32
    "tpu.region"() ({
      %run_scoped3A = tpu.sem_alloc : memref<!tpu.dma_semaphore, #tpu.memory_space<semaphore_mem>>
      %dma_start3A_103 = arith.constant 224 : i32
      %dma_start3A_104 = tpu.memref_slice %arg4[%mul3A_102, %dma_start3A_103] : memref<16384x256xf32, #tpu.memory_space<hbm>> -> memref<512x32xf32, #tpu.memory_space<hbm>>
      %dma_start3A_105 = arith.constant 224 : i32
      %dma_start3A_106 = tpu.memref_slice %arg4[%mul3A_102, %dma_start3A_105] : memref<16384x256xf32, #tpu.memory_space<hbm>> -> memref<512x32xf32, #tpu.memory_space<hbm>>
      tpu.enqueue_dma source(%arg8 : memref<512x32xf32, #tpu.memory_space<vmem>>) target(%dma_start3A_106 : memref<512x32xf32, #tpu.memory_space<hbm>>) target_semaphore(%run_scoped3A : memref<!tpu.dma_semaphore, #tpu.memory_space<semaphore_mem>>)
      %dma_wait3A_107 = arith.constant 224 : i32
      %dma_wait3A_108 = tpu.memref_slice %arg4[%mul3A_102, %dma_wait3A_107] : memref<16384x256xf32, #tpu.memory_space<hbm>> -> memref<512x32xf32, #tpu.memory_space<hbm>>
      %dma_wait3A_109 = arith.constant 224 : i32
      %dma_wait3A_110 = tpu.memref_slice %arg4[%mul3A_102, %dma_wait3A_109] : memref<16384x256xf32, #tpu.memory_space<hbm>> -> memref<512x32xf32, #tpu.memory_space<hbm>>
      tpu.wait_dma2 semaphore(%run_scoped3A : memref<!tpu.dma_semaphore, #tpu.memory_space<semaphore_mem>>) src(%arg8 : memref<512x32xf32, #tpu.memory_space<vmem>>) dst(%dma_wait3A_110 : memref<512x32xf32, #tpu.memory_space<hbm>>)
      tpu.yield
    }) : () -> ()
    return
  }
}

</mosaic_0001>

<sc_bundles>
// kernel: _sc_deep.3.cloned.1.call-start
scs
__scs_entry_jumppad:
0x0: {  	(pc) =	sbr.rel $0x88, $3  }
0x1: {  	(tag) =	ssettag $0x0;
	lr =	simm.s32 $0x1  }
0x2: {  	[smem:$0x3F9F] =	sst lr;
	_ =	strace $0xD0000000  }
0x3: {  	_ = 	snop  }
0x4: {  	_ = 	snop  }
0x5: {  	_ = 	snop  }
0x6: {  	_ = 	snop  }
0x7: {  	_ = 	snop  }
__scs_overlays_trampoline_lowered:
0x8: {  	[smem:$0x3FAE] =	sst s0  }
0x9: {  	[smem:$0x3FAF] =	sst s1  }
0xa: {  	[smem:$0x3FB0] =	sst s2  }
0xb: {  	[smem:$0x3FB1] =	sst s3  }
0xc: {  	[smem:$0x3FB2] =	sst s4  }
0xd: {  	[smem:$0x3FB3] =	sst s5  }
0xe: {  	[smem:$0x3FB4] =	sst s6  }
0xf: {  	[smem:$0x3FB5] =	sst s7  }
0x10: {  	[smem:$0x3FB6] =	sst s8  }
0x11: {  	[smem:$0x3FB7] =	sst s9;
	s0 =	simm.s32 @!p0 $0x0  }
0x12: {  	s1 =	sld [smem:$0x3F9D];
	s0 =	simm.s32 @p0 $0x1  }
0x13: {  	[smem:$0x3FB8] =	sst s0;
	s0 =	simm.s32 @!p1 $0x0  }
0x14: {  	s2 =	sld [smem:$0x3F9C];
	s0 =	simm.s32 @p1 $0x1  }
0x15: {  	[smem:$0x3FB9] =	sst s0;
	s0 =	simm.s32 @!p2 $0x0  }
0x16: {  	s3 =	sld [smem:$0x3FDB];
	s0 =	simm.s32 @p2 $0x1  }
0x17: {  	s4 =	simm.s32 $0x1BF5;
	[smem:$0x3FBB] =	sst s0  }
0x18: {  	s0 =	sld [smem:$0x3F9E];
	_ =	swait.ge [sflag:s4], $0x0  }
0x19: {  	s7 =	sld [smem:$0x3F9F]  }
0x1a: {  	s8 =	sadd.s32 $0xFFFFE003, lr  }
0x1b: {  	s9 =	sadd.s32 $0xFFFFFEF7, lr;
	s5 =	simm.s32 $0xFFFFFFFF;
	p2 =	slt.u32 s8, $0xFFFFF086  }
0x1c: {  	p1 =	slt.u32 s9, $0xF7A;
	s5 =	simm.s32 @!p2 $0x0  }
0x1d: {  	s5 =	simm.s32 @p1 $0x1;
	p0 =	seq.s32 s7, s2  }
0x1e: {  	s7 =	smul.u32 @!p0 $0xF7A, s2;
	p2 =	seq.s32 @!p0 s5, $0x0  }
0x1f: {  	s9 =	smul.u32 $0xF7A, s1;
	s8 =	simm.s32 @!p0 $0x1BF5;
	p2 =	por !p2, p0  }
0x20: {  	[sflag:s8] =	ssyncset.s32 @!p0 $0xFFFFF086;
	s6 =	sadd.s32 @!p0 s3, s7;
	s7 =	simm.s32 @!p0 $0x108  }
0x21: {  	s3 =	sadd.s32 s3, s9;
	s6 =	sadd.s32 @!p0 $0x88, s6;
	s7 =	simm.s32 @p2 $0x1082  }
0x22: {  	[simem:s7], [sflag:s8] =	dma.local @!p0 [hbm:s6], $0xF7A  }
0x23: {  	s9 =	sor.u32 $0xD0000000, s2;
	s6 =	simm.s32 $0x108;
	_ =	swait.ge @!p0 [sflag:s8], $0x0  }
0x24: {  	s3 =	sadd.s32 $0x88, s3;
	s6 =	simm.s32 @!p1 $0x1082;
	[sflag:s4] =	ssyncset.s32 $0xFFFFF086  }
0x25: {  	[simem:s6], [sflag:s4] =	dma.local [hbm:s3], $0xF7A  }
0x26: {  	[smem:$0x3F9F] =	sst s1;
	(tag) =	ssettag s2;
	_ =	strace s9  }
0x27: {  	s1 =	sld [smem:$0x3FAF]  }
0x28: {  	s2 =	sld [smem:$0x3FB0]  }
0x29: {  	s4 =	sld [smem:$0x3FB2]  }
0x2a: {  	p0 =	seq.s32 s5, $0x0;
	s5 =	sld [smem:$0x3FB3]  }
0x2b: {  	s6 =	sld [smem:$0x3FB4]  }
0x2c: {  	s7 =	sld [smem:$0x3FB5]  }
0x2d: {  	s3 =	simm.s32 $0x108;
	s8 =	sld [smem:$0x3FB6]  }
0x2e: {  	s3 =	simm.s32 @!p0 $0x1082;
	s9 =	sld [smem:$0x3FB7]  }
0x2f: {  	lr =	sadd.s32 s0, s3;
	s0 =	sld [smem:$0x3FAE]  }
0x30: {  	s3 =	sld [smem:$0x3FB1]  }
0x31: {  	[smem:$0x3FBA] =	sst s10  }
0x32: {  	s10 =	sld [smem:$0x3FB8];
	_ =	sdelay $0x3  }
0x33: {  	p0 =	seq.s32 s10, $0x1;
	s10 =	sld [smem:$0x3FBA];
	_ =	sdelay $0x3  }
0x34: {  	[smem:$0x3FBA] =	sst s10  }
0x35: {  	s10 =	sld [smem:$0x3FB9];
	_ =	sdelay $0x3  }
0x36: {  	p1 =	seq.s32 s10, $0x1;
	s10 =	sld [smem:$0x3FBA];
	_ =	sdelay $0x3  }
0x37: {  	[smem:$0x3FBA] =	sst s10  }
0x38: {  	s10 =	sld [smem:$0x3FBB]  }
0x39: {  	_ = 	snop;
	(pc) =	sbr.ind lr, $3  }
0x3a: {  	_ = 	snop  }
0x3b: {  	_ = 	snop  }
0x3c: {  	p2 =	seq.s32 s10, $0x1;
	s10 =	sld [smem:$0x3FBA]  }
0x3d: {  	_ =	shalt  }
0x3e: {  	_ =	shalt  }
0x3f: {  	_ =	shalt  }
0x40: {  	_ =	shalt  }
0x41: {  	_ =	shalt  }
0x42: {  	_ =	shalt  }
0x43: {  	_ =	shalt  }
0x44: {  	_ =	shalt  }
0x45: {  	_ =	shalt  }
0x46: {  	_ =	shalt  }
0x47: {  	_ =	shalt  }
0x48: {  	_ =	shalt  }
0x49: {  	_ =	shalt  }
0x4a: {  	_ =	shalt  }
0x4b: {  	_ =	shalt  }
0x4c: {  	_ =	shalt  }
0x4d: {  	_ =	shalt  }
0x4e: {  	_ =	shalt  }
0x4f: {  	_ =	shalt  }
0x50: {  	_ =	shalt  }
0x51: {  	_ =	shalt  }
0x52: {  	_ =	shalt  }
0x53: {  	_ =	shalt  }
0x54: {  	_ =	shalt  }
0x55: {  	_ =	shalt  }
0x56: {  	_ =	shalt  }
0x57: {  	_ =	shalt  }
0x58: {  	_ =	shalt  }
0x59: {  	_ =	shalt  }
0x5a: {  	_ =	shalt  }
0x5b: {  	_ =	shalt  }
0x5c: {  	_ =	shalt  }
0x5d: {  	_ =	shalt  }
0x5e: {  	_ =	shalt  }
0x5f: {  	_ =	shalt  }
0x60: {  	_ =	shalt  }
0x61: {  	_ =	shalt  }
0x62: {  	_ =	shalt  }
0x63: {  	_ =	shalt  }
0x64: {  	_ =	shalt  }
0x65: {  	_ =	shalt  }
0x66: {  	_ =	shalt  }
0x67: {  	_ =	shalt  }
0x68: {  	_ =	shalt  }
0x69: {  	_ =	shalt  }
0x6a: {  	_ =	shalt  }
0x6b: {  	_ =	shalt  }
0x6c: {  	_ =	shalt  }
0x6d: {  	_ =	shalt  }
0x6e: {  	_ =	shalt  }
0x6f: {  	_ =	shalt  }
0x70: {  	_ =	shalt  }
0x71: {  	_ =	shalt  }
0x72: {  	_ =	shalt  }
0x73: {  	_ =	shalt  }
0x74: {  	_ =	shalt  }
0x75: {  	_ =	shalt  }
0x76: {  	_ =	shalt  }
0x77: {  	_ =	shalt  }
0x78: {  	_ =	shalt  }
0x79: {  	_ =	shalt  }
0x7a: {  	_ =	shalt  }
0x7b: {  	_ =	shalt  }
0x7c: {  	_ =	shalt  }
0x7d: {  	_ =	shalt  }
0x7e: {  	_ =	shalt  }
0x7f: {  	_ =	shalt  }
0x80: {  	_ =	shalt  }
0x81: {  	_ =	shalt  }
0x82: {  	_ =	shalt  }
0x83: {  	_ =	shalt  }
0x84: {  	_ =	shalt  }
0x85: {  	_ =	shalt  }
0x86: {  	_ =	shalt  }
0x87: {  	_ =	shalt  }
.Lfunc_end0:
.L_simem_size_0:
called_computation_lowered:
.L_overlay_start_0:
0x88: {  	s2 =	sld [smem:$0x3FD9]  }
0x89: {  	s3 =	sld [smem:$0x3FFE];
	_ =	sdelay $0x1  }
0x8a: {  	s1 =	srdreg.scid  }
0x8b: {  	s0 =	sand.u32 $0x1, s1  }
0x8c: {  	s17 =	sshll.u32 s0, $0xA;
	s2 =	sadd.s32 s3, s2  }
0x8d: {  	s2 =	sadd.s32 s2, s17  }
0x8e: {  	[smem:$0x3FC6] =	sst s2  }
0x8f: {  	_ = 	snop  }
0x90: {  	s2 =	sld [smem:$0x3FD0];
	(tm) =	ssettm $0x1  }
0x91: {  	s18 =	sld [smem:$0x3FFB];
	_ =	sdelay $0x3  }
0x92: {  	_ =	strace s18  }
0x93: {  	s3 =	sld [smem:$0x3FFC];
	_ =	sdelay $0x3  }
0x94: {  	_ =	strace s3  }
0x95: {  	s3 =	sld [smem:$0x3FFD];
	_ =	sdelay $0x3  }
0x96: {  	_ =	strace s3  }
0x97: {  	_ =	strace $0x8FFFFFFF  }
0x98: {  	s19 =	sld [smem:$0x3FDB];
	_ =	sdelay $0x1  }
0x99: {  	s4 =	simm.s32 $_scs_section_size  }
0x9a: {  	s5 =	simm.s32 $_size__tile_overlayer_lowered;
	s6 =	simm.s32 $_tile_overlayer_lowered  }
0x9b: {  	s22 =	simm.s32 $0x1BFF;
	s21 =	sshll.u32 s6, $0x1;
	s3 =	sadd.s32 s4, s19  }
0x9c: {  	s7 =	simm.s32 $0x0;
	s20 =	sshll.u32 s5, $0x1;
	s5 =	sadd.s32 s21, s3  }
0x9d: {  	[timem:s7], [sflag:s22] =	dma.local [hbm:s5], s20  }
0x9e: {  	_ =	swait.ge [sflag:s22], s20  }
0x9f: {  	s4 =	ssub.s32 $0x0, s20;
	[sflag:s22] =	ssyncset.done $0x0  }
0xa0: {  	[sflag:s22] =	ssyncadd.s32 s4;
	_ =	sdelay $0x1  }
0xa1: {  	s23 =	simm.s32 $0x1B8B  }
0xa2: {  	_ =	swait.ge [sflag:s23], $0x1  }
0xa3: {  	[sflag:s23] =	ssyncset.done $0x0  }
0xa4: {  	s25 =	simm.s32 $0x1B8E;
	s24 =	sld [smem:$0x3FFE];
	[sflag:s23] =	ssyncadd.s32 $0xFFFFFFFF  }
0xa5: {  	s26 =	simm.s32 $execute0_lowered;
	[smem:$0x3FD2] =	sst s25  }
0xa6: {  	s5 =	sshll.u32 s26, $0x1;
	_ =	strace $0x80000046;
	[dreg:$0x1] =	wrdreg $0xFFFFFFFF  }
0xa7: {  	s28 =	simm.s32 $_size_execute0_lowered;
	s3 =	sadd.s32 s3, s5;
	[dreg:$0x0] =	wrdreg $0x0  }
0xa8: {  	s5 =	sshll.u32 s28, $0x1;
	[dreg:$0x2] =	wrdreg s3  }
0xa9: {  	[dreg:$0x3] =	wrdreg s5  }
0xaa: {  	[dreg:$0x4] =	wrdreg $0xC0  }
0xab: {  	_ =	task [dreg:s7], $0x5FFFF  }
0xac: {  	[dreg:$0x1] =	wrdreg $0xFFFFFFFF  }
0xad: {  	[dreg:$0x0] =	wrdreg $0x60  }
0xae: {  	[dreg:$0x2] =	wrdreg s24  }
0xaf: {  	[dreg:$0x3] =	wrdreg s2  }
0xb0: {  	[dreg:$0x4] =	wrdreg $0x9  }
0xb1: {  	_ =	task.clear_ibuf [dreg:s7], $0x5FFFF;
	_ =	strace $0x90000046  }
0xb2: {  	s29 =	simm.s32 $0x9;
	_ =	strace $0x80000048  }
0xb3: {  	_ =	swait.ge [sflag:s29], $0x1  }
0xb4: {  	[sflag:s29] =	ssyncadd.s32 $0xFFFFFFFF  }
0xb5: {  	_ =	strace $0x90000048  }
0xb6: {  	_ =	sfence  }
0xb7: {  	s30 =	sld [smem:$0x0];
	_ =	sdelay $0x2  }
0xb8: {  	s31 =	sshll.u32 s1, $0xD;
	s1 =	sshrl.u32 s1, $0x2  }
0xb9: {  	s3 =	sand.u32 $0x4000, s31;
	s1 =	sadd.s32 s1, s30  }
0xba: {  	s0 =	sor.u32 s3, s0;
	s1 =	sshll.u32 s1, $0x11  }
0xbb: {  	s0 =	sor.u32 s1, s0  }
0xbc: {  	s0 =	sadd.s32 $0x8F2B, s0  }
0xbd: {  	[sflag:s0] =	ssyncadd.remote.s32 $0x1  }
0xbe: {  	_ =	sfence.sel $0xFFFF  }
0xbf: {  	[dreg:$0x0] =	wrdreg $0xFFFFFFFF;
	(pc) =	sbr.abs _section_cstart, $3  }
0xc0: {  	[dreg:$0x1] =	wrdreg $0xFFFFFFFF  }
0xc1: {  	_ =	task.clear_ibuf [dreg:s7], $0x2FFFF;
	_ =	strace $0x9FFFFFFF  }
0xc2: {  	(tm) =	ssettm $0x7FFFFFFF  }
0xc3: {  	_ =	shalt  }
tec
execute0_lowered:
.L_overlay_start_1:
0x0: {  	(tag) =	ssettag $0x1  }
0x1: {  	s0 =	rddreg [dreg:$0x0]  }
0x2: {  	s2 =	rddreg [dreg:$0x1];
	s1 =	srdreg.scid  }
0x3: {  	s3 =	stileid.u32;
	s5 =	simm.s32 $0x0;
	s14 =	simm.s32 $0x200  }
0x4: {  	s16 =	simm.s32 $0x3;
	s17 =	simm.s32 $0x1000;
	s18 =	simm.s32 $0x2000  }
0x5: {  	s19 =	simm.s32 $0x1200;
	s20 =	simm.s32 $0x6000;
	s21 =	simm.s32 $0x1  }
0x6: {  	s22 =	simm.s32 $0x20;
	s23 =	simm.s32 $0x100;
	s24 =	simm.s32 $0x1400  }
0x7: {  	s25 =	simm.s32 $0x2;
	s28 =	simm.s32 $0x1800;
	s29 =	simm.s32 $0x1A00  }
0x8: {  	s30 =	simm.s32 $0x1C00;
	s31 =	simm.s32 $0x1E00;
	s1 =	sand.u32 $0x1, s1  }
0x9: {  	s3 =	sshll.u32 s3, $0xA;
	[smem:$0x7FF] =	sst s5;
	s4 =	sshll.u32 s1, $0x9  }
0xa: {  	_ =	strace $0x80000047;
	s1 =	ssub.s32 $0x2, s1;
	s3 =	sor.u32 s4, s3  }
0xb: {  	s26 =	sshrl.u32 s1, $0x1;
	s4 =	sshrl.u32 s3, $0x3;
	s3 =	sshll.u32 s3, $0x5  }
0xc: {  	s1 =	ssub.s32 s1, s26;
	s26 =	simm.s32 $0x1600;
	s4 =	sadd.s32 s4, s0  }
0xd: {  	s0 =	sadd.s32 s3, s0;
	s13 =	smax.u32 s1, $0x1;
	s4 =	sadd.s32 $0x400, s4  }
0xe: {  	s5 =	sadd.s32 $0x4400, s0;
	s6 =	sadd.s32 $0x4404, s0;
	s7 =	sadd.s32 $0x4408, s0  }
0xf: {  	s8 =	sadd.s32 $0x440C, s0;
	s9 =	sadd.s32 $0x4410, s0;
	s10 =	sadd.s32 $0x4414, s0  }
0x10: {  	s11 =	sadd.s32 $0x4418, s0;
	s12 =	sadd.s32 $0x441C, s0;
	s0 =	simm.s32 $0x0  }
.LBB2_1:
0x11: {  	s1 =	simm.s32 $0x0;
	s3 =	simm.s32 $0x4000  }
0x12: {  	[tilespmem:s1], [sflag:$0x3] =	stream.strided.gather [hbm4b:s4+s14], $0x1000, s3, s14, $0x38;
	[tilespmem:$0xA000] =	vst v63  }
0x13: {  	_ =	swait.ge [sflag:s16], $0x1000  }
0x14: {  	[sflag:s16] =	ssyncset.done $0x0  }
0x15: {  	s1 =	simm.s32 $0xFFFFFE00;
	[sflag:s16] =	ssyncadd.s32 $0xFFFFF000  }
0x16: {  	v0 =	vld [tilespmem:s1+$0x1000]  }
0x17: {  	v5 =	vld [tilespmem:s1+$0x400]  }
0x18: {  	v6 =	vld [tilespmem:s1+$0x600]  }
0x19: {  	v4 =	vld [tilespmem:s1+$0x800]  }
0x1a: {  	v3 =	vld [tilespmem:s1+$0xA00]  }
0x1b: {  	v1 =	vld [tilespmem:s1+$0xC00];
	v0 =	vadd.s32 $0x1B58, v0  }
0x1c: {  	v2 =	vld [tilespmem:s1+$0xE00];
	v5 =	vadd.s32 $0x3E8, v5;
	[tilespmem:s1+$0x2000] =	vst v0  }
0x1d: {  	s15 =	simm.s32 $0xFFFFF880;
	s3 =	simm.s32 $0xFFFFFE10;
	v0 =	vld [tilespmem:s1+$0x200];
	[tilespmem:s1+$0x1400] =	vst v5;
	v5 =	vadd.s32 $0x7D0, v6  }
.LBB2_2:
0x1e: {  	p0 =	sne.s32 s15, $0xFFFFFFC0;
	v6 =	vld [tilespmem:s3+$0x1000];
	[tilespmem:s1+$0x1600] =	vst v5;
	v4 =	vadd.s32 $0xBB8, v4  }
0x1f: {  	v5 =	vld [tilespmem:s3+$0x400];
	[tilespmem:s1+$0x1800] =	vst v4;
	v3 =	vadd.s32 $0xFA0, v3  }
0x20: {  	v7 =	vld [tilespmem:s3+$0x600];
	[tilespmem:s1+$0x1A00] =	vst v3;
	v1 =	vadd.s32 $0x1388, v1  }
.Ltmp0:
0x21: {  	v4 =	vld [tilespmem:s3+$0x800];
	[tilespmem:s1+$0x1C00] =	vst v1;
	v1 =	vadd.s32 $0x1770, v2;
	(pc) =	sbr.rel @p0 .LBB2_2-.Ltmp0, $4  }
0x22: {  	v3 =	vld [tilespmem:s3+$0xA00];
	[tilespmem:s1+$0x1E00] =	vst v1  }
0x23: {  	v1 =	vld [tilespmem:s3+$0xC00];
	v6 =	vadd.s32 $0x1B58, v6;
	[tilespmem:s1+$0x1200] =	vst v0;
	s1 =	smov.u32 s3  }
0x24: {  	v5 =	vadd.s32 $0x3E8, v5;
	v2 =	vld [tilespmem:s1+$0xE00];
	[tilespmem:s1+$0x2000] =	vst v6  }
0x25: {  	s3 =	sshra.s32 s15, $0x2;
	s15 =	sadd.s32 $0x40, s15;
	v0 =	vld [tilespmem:s1+$0x200];
	[tilespmem:s1+$0x1400] =	vst v5;
	v5 =	vadd.s32 $0x7D0, v7  }
0x26: {  	v6 =	vld [tilespmem:s3+$0x1000];
	[tilespmem:s1+$0x1600] =	vst v5;
	v4 =	vadd.s32 $0xBB8, v4  }
0x27: {  	v5 =	vld [tilespmem:s3+$0x400];
	[tilespmem:s1+$0x1800] =	vst v4;
	v3 =	vadd.s32 $0xFA0, v3  }
0x28: {  	v4 =	vld [tilespmem:s3+$0x600];
	[tilespmem:s1+$0x1A00] =	vst v3;
	v1 =	vadd.s32 $0x1388, v1  }
0x29: {  	v3 =	vld [tilespmem:s3+$0x800];
	[tilespmem:s1+$0x1C00] =	vst v1;
	v53 =	vadd.s32 $0x1770, v2  }
0x2a: {  	v54 =	vld [tilespmem:s3+$0xA00];
	[tilespmem:s1+$0x1E00] =	vst v53  }
0x2b: {  	v1 =	vld [tilespmem:s3+$0xC00];
	[tilespmem:s1+$0x1200] =	vst v0;
	v55 =	vadd.s32 $0x1B58, v6  }
0x2c: {  	v56 =	vld [tilespmem:s3+$0xE00];
	[tilespmem:s3+$0x2000] =	vst v55;
	v57 =	vadd.s32 $0x3E8, v5  }
0x2d: {  	v58 =	vld [tilespmem:s3+$0x200];
	[tilespmem:s3+$0x1400] =	vst v57;
	v59 =	vadd.s32 $0x7D0, v4  }
0x2e: {  	[tilespmem:s3+$0x1600] =	vst v59;
	v60 =	vadd.s32 $0xBB8, v3  }
0x2f: {  	[tilespmem:s3+$0x1800] =	vst v60;
	v61 =	vadd.s32 $0xFA0, v54  }
0x30: {  	[tilespmem:s3+$0x1A00] =	vst v61;
	v62 =	vadd.s32 $0x1388, v1  }
0x31: {  	[tilespmem:s3+$0x1C00] =	vst v62  }
0x32: {  	v63 =	vadd.s32 $0x1770, v56;
	[tilespmem:s3+$0x1200] =	vst v58  }
0x33: {  	[tilespmem:s3+$0x1E00] =	vst v63  }
0x34: {  	[tilespmem:s18], [sflag:$0x1] =	stream.indirect.gather [hbm4b:s2+s14], $0x20, s17, s14, $0xb8;
	[tilespmem:$0xA000] =	vst v63  }
0x35: {  	_ = 	snop  }
0x36: {  	[tilespmem:s20], [sflag:$0x2] =	stream.indirect.gather [hbm4b:s2+s14], $0x20, s19, s14, $0xb8;
	[tilespmem:$0xA000] =	vst v63  }
0x37: {  	_ =	swait.ge [sflag:s21], $0x4000  }
0x38: {  	[sflag:s21] =	ssyncset.done $0x0  }
0x39: {  	[sflag:s21] =	ssyncadd.s32 $0xFFFFC000  }
0x3a: {  	[hbm4b:s5+s22] =	stream.strided.scatter [tilespmem:s18], [sflag:$0x3], $0x4000, s23, s22, $0x38;
	[tilespmem:$0xA000] =	vst v63  }
0x3b: {  	_ =	swait.ge [sflag:s16], $0x4000  }
0x3c: {  	[sflag:s16] =	ssyncset.done $0x0  }
0x3d: {  	[sflag:s16] =	ssyncadd.s32 $0xFFFFC000  }
0x3e: {  	[tilespmem:s18], [sflag:$0x1] =	stream.indirect.gather [hbm4b:s2+s14], $0x20, s24, s14, $0xb8;
	[tilespmem:$0xA000] =	vst v63  }
0x3f: {  	_ =	swait.ge [sflag:s25], $0x4000  }
0x40: {  	[sflag:s25] =	ssyncset.done $0x0  }
0x41: {  	[sflag:s25] =	ssyncadd.s32 $0xFFFFC000  }
0x42: {  	[hbm4b:s6+s22] =	stream.strided.scatter [tilespmem:s20], [sflag:$0x3], $0x4000, s23, s22, $0x38;
	[tilespmem:$0xA000] =	vst v63  }
0x43: {  	_ =	swait.ge [sflag:s16], $0x4000  }
0x44: {  	[sflag:s16] =	ssyncset.done $0x0  }
0x45: {  	[sflag:s16] =	ssyncadd.s32 $0xFFFFC000  }
0x46: {  	[tilespmem:s20], [sflag:$0x2] =	stream.indirect.gather [hbm4b:s2+s14], $0x20, s26, s14, $0xb8;
	[tilespmem:$0xA000] =	vst v63  }
0x47: {  	_ =	swait.ge [sflag:s21], $0x4000  }
0x48: {  	[sflag:s21] =	ssyncset.done $0x0  }
0x49: {  	[sflag:s21] =	ssyncadd.s32 $0xFFFFC000  }
0x4a: {  	[hbm4b:s7+s22] =	stream.strided.scatter [tilespmem:s18], [sflag:$0x3], $0x4000, s23, s22, $0x38;
	[tilespmem:$0xA000] =	vst v63  }
0x4b: {  	_ =	swait.ge [sflag:s16], $0x4000  }
0x4c: {  	[sflag:s16] =	ssyncset.done $0x0  }
0x4d: {  	[sflag:s16] =	ssyncadd.s32 $0xFFFFC000  }
0x4e: {  	[tilespmem:s18], [sflag:$0x1] =	stream.indirect.gather [hbm4b:s2+s14], $0x20, s28, s14, $0xb8;
	[tilespmem:$0xA000] =	vst v63  }
0x4f: {  	_ =	swait.ge [sflag:s25], $0x4000  }
0x50: {  	[sflag:s25] =	ssyncset.done $0x0  }
0x51: {  	[sflag:s25] =	ssyncadd.s32 $0xFFFFC000  }
0x52: {  	[hbm4b:s8+s22] =	stream.strided.scatter [tilespmem:s20], [sflag:$0x3], $0x4000, s23, s22, $0x38;
	[tilespmem:$0xA000] =	vst v63  }
0x53: {  	_ =	swait.ge [sflag:s16], $0x4000  }
0x54: {  	[sflag:s16] =	ssyncset.done $0x0  }
0x55: {  	[sflag:s16] =	ssyncadd.s32 $0xFFFFC000  }
0x56: {  	[tilespmem:s20], [sflag:$0x2] =	stream.indirect.gather [hbm4b:s2+s14], $0x20, s29, s14, $0xb8;
	[tilespmem:$0xA000] =	vst v63  }
0x57: {  	_ =	swait.ge [sflag:s21], $0x4000  }
0x58: {  	[sflag:s21] =	ssyncset.done $0x0  }
0x59: {  	[sflag:s21] =	ssyncadd.s32 $0xFFFFC000  }
0x5a: {  	[hbm4b:s9+s22] =	stream.strided.scatter [tilespmem:s18], [sflag:$0x3], $0x4000, s23, s22, $0x38;
	[tilespmem:$0xA000] =	vst v63  }
0x5b: {  	_ =	swait.ge [sflag:s16], $0x4000  }
0x5c: {  	[sflag:s16] =	ssyncset.done $0x0  }
0x5d: {  	[sflag:s16] =	ssyncadd.s32 $0xFFFFC000  }
0x5e: {  	[tilespmem:s18], [sflag:$0x1] =	stream.indirect.gather [hbm4b:s2+s14], $0x20, s30, s14, $0xb8;
	[tilespmem:$0xA000] =	vst v63  }
0x5f: {  	_ =	swait.ge [sflag:s25], $0x4000  }
0x60: {  	[sflag:s25] =	ssyncset.done $0x0  }
0x61: {  	[sflag:s25] =	ssyncadd.s32 $0xFFFFC000  }
0x62: {  	[hbm4b:s10+s22] =	stream.strided.scatter [tilespmem:s20], [sflag:$0x3], $0x4000, s23, s22, $0x38;
	[tilespmem:$0xA000] =	vst v63  }
0x63: {  	_ =	swait.ge [sflag:s16], $0x4000  }
0x64: {  	[sflag:s16] =	ssyncset.done $0x0  }
0x65: {  	[sflag:s16] =	ssyncadd.s32 $0xFFFFC000  }
0x66: {  	[tilespmem:s20], [sflag:$0x2] =	stream.indirect.gather [hbm4b:s2+s14], $0x20, s31, s14, $0xb8;
	[tilespmem:$0xA000] =	vst v63  }
0x67: {  	_ =	swait.ge [sflag:s21], $0x4000  }
0x68: {  	[sflag:s21] =	ssyncset.done $0x0  }
0x69: {  	[sflag:s21] =	ssyncadd.s32 $0xFFFFC000  }
0x6a: {  	[hbm4b:s11+s22] =	stream.strided.scatter [tilespmem:s18], [sflag:$0x3], $0x4000, s23, s22, $0x38;
	[tilespmem:$0xA000] =	vst v63  }
0x6b: {  	_ =	swait.ge [sflag:s16], $0x4000  }
0x6c: {  	[sflag:s16] =	ssyncset.done $0x0  }
0x6d: {  	[sflag:s16] =	ssyncadd.s32 $0xFFFFC000  }
0x6e: {  	s0 =	sadd.s32 $0x1, s0;
	_ =	swait.ge [sflag:s25], $0x4000  }
0x6f: {  	p0 =	sne.s32 s0, s13;
	[sflag:s25] =	ssyncset.done $0x0  }
.Ltmp1:
0x70: {  	[sflag:s25] =	ssyncadd.s32 $0xFFFFC000;
	(pc) =	sbr.rel @p0 .LBB2_1-.Ltmp1, $4  }
0x71: {  	[hbm4b:s12+s22] =	stream.strided.scatter [tilespmem:s20], [sflag:$0x3], $0x4000, s23, s22, $0x38;
	[tilespmem:$0xA000] =	vst v63  }
0x72: {  	_ =	swait.ge [sflag:s16], $0x4000  }
0x73: {  	[sflag:s16] =	ssyncset.done $0x0  }
0x74: {  	[sflag:s16] =	ssyncadd.s32 $0xFFFFC000  }
0x75: {  	_ =	sfence.sel $0x180000  }
0x76: {  	[bflag:$0x0] =	sbarrier.arrive $0xFFFF  }
0x77: {  	_ =	strace $0x90000047  }
0x78: {  	s0 =	stileid.u32;
	[bflag:$0x2] =	sbarrier.arrive $0xFFFF  }
0x79: {  	p0 =	sne.s32 s0, $0x0;
	s0 =	rddreg [dreg:$0x2]  }
0x7a: {  	s0 =	sadd.s32 @!p0 $0x100000, s0  }
0x7b: {  	[sflag:s0] =	ssyncadd.tile.s32 @!p0 $0x1;
	_ =	shalt  }
.Lfunc_end2:
_tile_overlayer_lowered:
.L_overlay_start_2:
0x7c: {  	(tag) =	ssettag $0x2  }
0x7d: {  	s0 =	rddreg [dreg:$0x0];
	s2 =	stileid.u32  }
0x7e: {  	s1 =	rddreg [dreg:$0x1];
	p0 =	sne.s32 s2, $0x0  }
0x7f: {  	s3 =	rddreg [dreg:$0x2];
	[bflag:$0x3] =	sbarrier.arrive $0xFFFF;
	s2 =	simm.s32 @!p0 $0x1C03  }
0x80: {  	[timem:s3], [sflag:s2] =	dma.local @!p0 [hbm:s0], s1  }
0x81: {  	s0 =	simm.s32 @!p0 $0x3  }
0x82: {  	_ =	swait.ge @!p0 [sflag:s0], s1  }
0x83: {  	s1 =	ssub.s32 @!p0 $0x0, s1;
	[sflag:s0] =	ssyncset.done @!p0 $0x0  }
0x84: {  	[sflag:s0] =	ssyncadd.s32 @!p0 s1  }
0x85: {  	[bflag:$0x3] =	sbarrier.arrive $0xFFFF  }
0x86: {  	_ =	shalt  }

</sc_bundles>
